<compile_context>
chip_gen: v7x
topology: tpu7x:2x2x1
jax: 0.10.2.dev20260603
libtpu: 0.0.44.dev20260713+nightly
codegen_flags: <defaults>
</compile_context>

<pallas_src>
import jax
import jax.numpy as jnp
from jax import lax
from jax.experimental import pallas as pl
from jax.experimental.pallas import tpu as pltpu
from jax.experimental.pallas import tpu_sc as plsc

N_FIELDS = 26
VOCAB_P1 = 100001
EMB = 16
BATCH = 16384

NC, NS, LANES = 2, 16, 16
NW = NC * NS
PLANES = N_FIELDS * EMB
P_PER_W = PLANES // NW
OUT_CHUNK = 4096
N_OUT_CHUNKS = BATCH // OUT_CHUNK
G_PER_CHUNK = OUT_CHUNK // LANES


def _body(tab_hbm, idx_hbm, out_hbm, plane_v, idx_v, out_v, sem, sem_out):
    wid = lax.axis_index("s") * NC + lax.axis_index("c")
    p0 = wid * P_PER_W

    def plane_body(k, _):
        p = p0 + k
        f = p // EMB
        e = lax.rem(p, EMB)

        @pl.when(jnp.logical_or(k == 0, e == 0))
        def _():
            pltpu.sync_copy(idx_hbm.at[f], idx_v)

        pltpu.sync_copy(tab_hbm.at[f, e], plane_v)

        @pl.when(k > 0)
        def _():
            for _i in range(2):
                pltpu.make_async_copy(
                    out_hbm.at[f, e, pl.ds(0, OUT_CHUNK)], out_v.at[0], sem_out
                ).wait()

        copies = [None, None]
        for q in range(N_OUT_CHUNKS):
            b = q % 2
            if copies[b] is not None:
                copies[b].wait()
            qb = q * OUT_CHUNK

            @plsc.parallel_loop(0, G_PER_CHUNK, unroll=8)
            def gather_body(i):
                out_v[b, pl.ds(i * LANES, LANES)] = plsc.load_gather(
                    plane_v, [idx_v[pl.ds(qb + i * LANES, LANES)]]
                )

            copies[b] = pltpu.async_copy(
                out_v.at[b], out_hbm.at[f, e, pl.ds(qb, OUT_CHUNK)], sem_out
            )
        return 0

    lax.fori_loop(0, P_PER_W, plane_body, 0)

    for _i in range(2):
        pltpu.make_async_copy(
            out_hbm.at[0, 0, pl.ds(0, OUT_CHUNK)], out_v.at[0], sem_out
        ).wait()


@jax.jit
def _embed(indices, tables):
    tab_t = jnp.transpose(tables, (0, 2, 1))
    idx_t = indices.T
    grid_kernel = pl.kernel(
        _body,
        out_type=jax.ShapeDtypeStruct((N_FIELDS, EMB, BATCH), jnp.float32),
        mesh=plsc.VectorSubcoreMesh(core_axis_name="c", subcore_axis_name="s"),
        scratch_types=[
            pltpu.VMEM((VOCAB_P1,), jnp.float32),
            pltpu.VMEM((BATCH,), jnp.int32),
            pltpu.VMEM((2, OUT_CHUNK), jnp.float32),
            pltpu.SemaphoreType.DMA,
            pltpu.SemaphoreType.DMA,
        ],
        compiler_params=pltpu.CompilerParams(needs_layout_passes=False),
    )
    out_t = grid_kernel(tab_t, idx_t)
    return jnp.transpose(out_t, (2, 0, 1))


def kernel(indices, tables):
    return _embed(indices, tables)

# --- scband reference (transcript-rebuilt; emitter-appended) ---
"""Pipeline reference for scband-embedding-layer-12369505813193 (READ-ONLY COPY).

The authoritative reference and input builder live on the scoring server;
editing this copy changes nothing except your own understanding.
"""

import jax, jax.numpy as jnp
import numpy as np

N_FIELDS = 26
VOCAB = 100000
EMB = 16
BATCH = 16384


def setup_inputs(seed: int = 0) -> dict:
    key = jax.random.key(seed)
    k1, k2 = jax.random.split(key)
    # X in torch is a dict {col: int64[B]}; here we stack the 26 columns into [B, 26]
    indices = jax.random.randint(k1, (BATCH, N_FIELDS), 0, VOCAB, dtype=jnp.int32)
    # One embedding table per field, each (vocab_size + 1, embedding_dim), stacked
    tables = jax.random.normal(k2, (N_FIELDS, VOCAB + 1, EMB), dtype=jnp.float32) * 0.01
    return {"indices": indices, "tables": tables}


def reference(indices, tables):
    # Faithful to: for each col, emb = embedding_layer[col](X[col].view(-1,1)) -> [B,1,E];
    # stack over fields at dim=1 -> [B,F,1,E]; squeeze(2) -> [B,F,E]
    gather = jax.vmap(lambda tab, idx: jnp.take(tab, idx, axis=0), in_axes=(0, 1), out_axes=1)
    return gather(tables, indices)  # [B, F, E]

if __name__ == "__main__":
    import jax
    _d = setup_inputs()
    print(jax.jit(kernel)(*tuple(_d.values())))

</pallas_src>

<mosaic_0001>
#map = affine_map<(d0, d1) -> (0, 0, 0)>
#map1 = affine_map<(d0, d1) -> (0, 0)>
module attributes {stable_mosaic.version = 14 : i64} {
  func.func @_body(%arg0: i32, %arg1: i32, %arg2: memref<26x16x100001xf32, #tpu.memory_space<hbm>>, %arg3: memref<26x16384xi32, #tpu.memory_space<hbm>>, %arg4: memref<26x16x16384xf32, #tpu.memory_space<hbm>>, %arg5: memref<100001xf32, #tpu.memory_space<vmem>>, %arg6: memref<16384xi32, #tpu.memory_space<vmem>>, %arg7: memref<2x4096xf32, #tpu.memory_space<vmem>>, %arg8: memref<!tpu.dma_semaphore, #tpu.memory_space<semaphore_mem>>, %arg9: memref<!tpu.dma_semaphore, #tpu.memory_space<semaphore_mem>>) attributes {dimension_semantics = [#tpu.dimension_semantics<core_parallel>, #tpu.dimension_semantics<subcore_parallel>], iteration_bounds = array<i64: 2, 16>, scalar_prefetch = 0 : i64, scratch_operands = 5 : i64, tpu.core_type = #tpu.core_type<sc_vector_subcore>, window_params = [{transform_indices = #map}, {transform_indices = #map1}, {transform_indices = #map}]} {
    %mul3A = arith.constant 2 : i32
    %mul3A_0 = arith.muli %arg1, %mul3A : i32
    %add3A = arith.addi %mul3A_0, %arg0 : i32
    %mul3A_1 = arith.constant 13 : i32
    %mul3A_2 = arith.muli %add3A, %mul3A_1 : i32
    %scan3A = arith.constant 0 : i32
    %scan3A_3 = arith.constant 0 : i32
    %scan3A_4 = arith.constant 13 : i32
    %scan3A_5 = arith.addi %scan3A_3, %scan3A_4 : i32
    %scan3A_6 = arith.constant 1 : i32
    %scan3A_7 = scf.for %scan3A_38 = %scan3A_3 to %scan3A_5 step %scan3A_6 iter_args(%scan3A_39 = %scan3A) -> (i32)  : i32 {
      %add3A_40 = arith.addi %mul3A_2, %scan3A_38 : i32
      %jit3A = arith.constant 16 : i32
      %div3A = arith.divsi %add3A_40, %jit3A : i32
      %sign3A = arith.constant 0 : i32
      %sign3A_41 = arith.cmpi sgt, %add3A_40, %sign3A : i32
      %sign3A_42 = arith.extui %sign3A_41 : i1 to i32
      %sign3A_43 = arith.constant 0 : i32
      %sign3A_44 = arith.cmpi slt, %add3A_40, %sign3A_43 : i32
      %sign3A_45 = arith.extui %sign3A_44 : i1 to i32
      %sign3A_46 = arith.subi %sign3A_42, %sign3A_45 : i32
      %sign3A_47 = arith.constant 0 : i32
      %sign3A_48 = arith.cmpi sgt, %jit3A, %sign3A_47 : i32
      %sign3A_49 = arith.extui %sign3A_48 : i1 to i32
      %sign3A_50 = arith.constant 0 : i32
      %sign3A_51 = arith.cmpi slt, %jit3A, %sign3A_50 : i32
      %sign3A_52 = arith.extui %sign3A_51 : i1 to i32
      %sign3A_53 = arith.subi %sign3A_49, %sign3A_52 : i32
      %ne3A = arith.cmpi ne, %sign3A_46, %sign3A_53 : i32
      %rem3A = arith.remsi %add3A_40, %jit3A : i32
      %ne3A_54 = arith.constant 0 : i32
      %ne3A_55 = arith.cmpi ne, %rem3A, %ne3A_54 : i32
      %and3A = arith.andi %ne3A, %ne3A_55 : i1
      %sub3A = arith.constant 1 : i32
      %sub3A_56 = arith.subi %div3A, %sub3A : i32
      %select_n3A = arith.select %and3A, %sub3A_56, %div3A : i32
      %rem3A_57 = arith.constant 16 : i32
      %rem3A_58 = arith.remsi %add3A_40, %rem3A_57 : i32
      %eq3A = arith.constant 0 : i32
      %eq3A_59 = arith.cmpi eq, %scan3A_38, %eq3A : i32
      %eq3A_60 = arith.constant 0 : i32
      %eq3A_61 = arith.cmpi eq, %rem3A_58, %eq3A_60 : i32
      %or3A = arith.ori %eq3A_59, %eq3A_61 : i1
      %convert_element_type3A = arith.extui %or3A : i1 to i32
      %cond3A = arith.constant 0 : i32
      %cond3A_62 = arith.cmpi ne, %convert_element_type3A, %cond3A : i32
      scf.if %cond3A_62 {
        "tpu.region"() ({
          %run_scoped3A = tpu.sem_alloc : memref<!tpu.dma_semaphore, #tpu.memory_space<semaphore_mem>>
          %dma_start3A_156 = arith.constant 0 : i32
          %dma_start3A_157 = tpu.memref_slice %arg3[%select_n3A, %dma_start3A_156] : memref<26x16384xi32, #tpu.memory_space<hbm>> -> memref<1x16384xi32, #tpu.memory_space<hbm>>
          %dma_start3A_158 = tpu.memref_squeeze %dma_start3A_157 : memref<1x16384xi32, #tpu.memory_space<hbm>> -> memref<16384xi32, #tpu.memory_space<hbm>>
          %dma_start3A_159 = arith.constant 0 : i32
          %dma_start3A_160 = tpu.memref_slice %arg3[%select_n3A, %dma_start3A_159] : memref<26x16384xi32, #tpu.memory_space<hbm>> -> memref<1x16384xi32, #tpu.memory_space<hbm>>
          %dma_start3A_161 = tpu.memref_squeeze %dma_start3A_160 : memref<1x16384xi32, #tpu.memory_space<hbm>> -> memref<16384xi32, #tpu.memory_space<hbm>>
          tpu.enqueue_dma source(%dma_start3A_161 : memref<16384xi32, #tpu.memory_space<hbm>>) target(%arg6 : memref<16384xi32, #tpu.memory_space<vmem>>) target_semaphore(%run_scoped3A : memref<!tpu.dma_semaphore, #tpu.memory_space<semaphore_mem>>)
          %dma_wait3A_162 = arith.constant 0 : i32
          %dma_wait3A_163 = tpu.memref_slice %arg3[%select_n3A, %dma_wait3A_162] : memref<26x16384xi32, #tpu.memory_space<hbm>> -> memref<1x16384xi32, #tpu.memory_space<hbm>>
          %dma_wait3A_164 = tpu.memref_squeeze %dma_wait3A_163 : memref<1x16384xi32, #tpu.memory_space<hbm>> -> memref<16384xi32, #tpu.memory_space<hbm>>
          %dma_wait3A_165 = arith.constant 0 : i32
          %dma_wait3A_166 = tpu.memref_slice %arg3[%select_n3A, %dma_wait3A_165] : memref<26x16384xi32, #tpu.memory_space<hbm>> -> memref<1x16384xi32, #tpu.memory_space<hbm>>
          %dma_wait3A_167 = tpu.memref_squeeze %dma_wait3A_166 : memref<1x16384xi32, #tpu.memory_space<hbm>> -> memref<16384xi32, #tpu.memory_space<hbm>>
          tpu.wait_dma2 semaphore(%run_scoped3A : memref<!tpu.dma_semaphore, #tpu.memory_space<semaphore_mem>>) src(%dma_wait3A_167 : memref<16384xi32, #tpu.memory_space<hbm>>) dst(%arg6 : memref<16384xi32, #tpu.memory_space<vmem>>)
          tpu.yield
        }) : () -> ()
      } else {
      }
      "tpu.region"() ({
        %run_scoped3A = tpu.sem_alloc : memref<!tpu.dma_semaphore, #tpu.memory_space<semaphore_mem>>
        %dma_start3A_156 = arith.constant 0 : i32
        %dma_start3A_157 = tpu.memref_slice %arg2[%select_n3A, %rem3A_58, %dma_start3A_156] : memref<26x16x100001xf32, #tpu.memory_space<hbm>> -> memref<1x1x100001xf32, #tpu.memory_space<hbm>>
        %dma_start3A_158 = tpu.memref_squeeze %dma_start3A_157 : memref<1x1x100001xf32, #tpu.memory_space<hbm>> -> memref<100001xf32, #tpu.memory_space<hbm>>
        %dma_start3A_159 = arith.constant 0 : i32
        %dma_start3A_160 = tpu.memref_slice %arg2[%select_n3A, %rem3A_58, %dma_start3A_159] : memref<26x16x100001xf32, #tpu.memory_space<hbm>> -> memref<1x1x100001xf32, #tpu.memory_space<hbm>>
        %dma_start3A_161 = tpu.memref_squeeze %dma_start3A_160 : memref<1x1x100001xf32, #tpu.memory_space<hbm>> -> memref<100001xf32, #tpu.memory_space<hbm>>
        tpu.enqueue_dma source(%dma_start3A_161 : memref<100001xf32, #tpu.memory_space<hbm>>) target(%arg5 : memref<100001xf32, #tpu.memory_space<vmem>>) target_semaphore(%run_scoped3A : memref<!tpu.dma_semaphore, #tpu.memory_space<semaphore_mem>>)
        %dma_wait3A_162 = arith.constant 0 : i32
        %dma_wait3A_163 = tpu.memref_slice %arg2[%select_n3A, %rem3A_58, %dma_wait3A_162] : memref<26x16x100001xf32, #tpu.memory_space<hbm>> -> memref<1x1x100001xf32, #tpu.memory_space<hbm>>
        %dma_wait3A_164 = tpu.memref_squeeze %dma_wait3A_163 : memref<1x1x100001xf32, #tpu.memory_space<hbm>> -> memref<100001xf32, #tpu.memory_space<hbm>>
        %dma_wait3A_165 = arith.constant 0 : i32
        %dma_wait3A_166 = tpu.memref_slice %arg2[%select_n3A, %rem3A_58, %dma_wait3A_165] : memref<26x16x100001xf32, #tpu.memory_space<hbm>> -> memref<1x1x100001xf32, #tpu.memory_space<hbm>>
        %dma_wait3A_167 = tpu.memref_squeeze %dma_wait3A_166 : memref<1x1x100001xf32, #tpu.memory_space<hbm>> -> memref<100001xf32, #tpu.memory_space<hbm>>
        tpu.wait_dma2 semaphore(%run_scoped3A : memref<!tpu.dma_semaphore, #tpu.memory_space<semaphore_mem>>) src(%dma_wait3A_167 : memref<100001xf32, #tpu.memory_space<hbm>>) dst(%arg5 : memref<100001xf32, #tpu.memory_space<vmem>>)
        tpu.yield
      }) : () -> ()
      %gt3A = arith.constant 0 : i32
      %gt3A_63 = arith.cmpi sgt, %scan3A_38, %gt3A : i32
      %convert_element_type3A_64 = arith.extui %gt3A_63 : i1 to i32
      %cond3A_65 = arith.constant 0 : i32
      %cond3A_66 = arith.cmpi ne, %convert_element_type3A_64, %cond3A_65 : i32
      scf.if %cond3A_66 {
        %dma_wait3A_156 = arith.constant 0 : i32
        %dma_wait3A_157 = arith.constant 0 : i32
        %dma_wait3A_158 = tpu.memref_slice %arg7[%dma_wait3A_156, %dma_wait3A_157] : memref<2x4096xf32, #tpu.memory_space<vmem>> -> memref<1x4096xf32, #tpu.memory_space<vmem>>
        %dma_wait3A_159 = tpu.memref_squeeze %dma_wait3A_158 : memref<1x4096xf32, #tpu.memory_space<vmem>> -> memref<4096xf32, #tpu.memory_space<vmem>>
        %dma_wait3A_160 = arith.constant 0 : i32
        %dma_wait3A_161 = tpu.memref_slice %arg4[%select_n3A, %rem3A_58, %dma_wait3A_160] : memref<26x16x16384xf32, #tpu.memory_space<hbm>> -> memref<1x1x4096xf32, #tpu.memory_space<hbm>>
        %dma_wait3A_162 = tpu.memref_squeeze %dma_wait3A_161 : memref<1x1x4096xf32, #tpu.memory_space<hbm>> -> memref<4096xf32, #tpu.memory_space<hbm>>
        %dma_wait3A_163 = arith.constant 0 : i32
        %dma_wait3A_164 = tpu.memref_slice %arg7[%dma_wait3A_156, %dma_wait3A_163] : memref<2x4096xf32, #tpu.memory_space<vmem>> -> memref<1x4096xf32, #tpu.memory_space<vmem>>
        %dma_wait3A_165 = tpu.memref_squeeze %dma_wait3A_164 : memref<1x4096xf32, #tpu.memory_space<vmem>> -> memref<4096xf32, #tpu.memory_space<vmem>>
        %dma_wait3A_166 = arith.constant 0 : i32
        %dma_wait3A_167 = tpu.memref_slice %arg4[%select_n3A, %rem3A_58, %dma_wait3A_166] : memref<26x16x16384xf32, #tpu.memory_space<hbm>> -> memref<1x1x4096xf32, #tpu.memory_space<hbm>>
        %dma_wait3A_168 = tpu.memref_squeeze %dma_wait3A_167 : memref<1x1x4096xf32, #tpu.memory_space<hbm>> -> memref<4096xf32, #tpu.memory_space<hbm>>
        tpu.wait_dma2 semaphore(%arg9 : memref<!tpu.dma_semaphore, #tpu.memory_space<semaphore_mem>>) src(%dma_wait3A_168 : memref<4096xf32, #tpu.memory_space<hbm>>) dst(%dma_wait3A_165 : memref<4096xf32, #tpu.memory_space<vmem>>)
        %dma_wait3A_169 = arith.constant 0 : i32
        %dma_wait3A_170 = arith.constant 0 : i32
        %dma_wait3A_171 = tpu.memref_slice %arg7[%dma_wait3A_169, %dma_wait3A_170] : memref<2x4096xf32, #tpu.memory_space<vmem>> -> memref<1x4096xf32, #tpu.memory_space<vmem>>
        %dma_wait3A_172 = tpu.memref_squeeze %dma_wait3A_171 : memref<1x4096xf32, #tpu.memory_space<vmem>> -> memref<4096xf32, #tpu.memory_space<vmem>>
        %dma_wait3A_173 = arith.constant 0 : i32
        %dma_wait3A_174 = tpu.memref_slice %arg4[%select_n3A, %rem3A_58, %dma_wait3A_173] : memref<26x16x16384xf32, #tpu.memory_space<hbm>> -> memref<1x1x4096xf32, #tpu.memory_space<hbm>>
        %dma_wait3A_175 = tpu.memref_squeeze %dma_wait3A_174 : memref<1x1x4096xf32, #tpu.memory_space<hbm>> -> memref<4096xf32, #tpu.memory_space<hbm>>
        %dma_wait3A_176 = arith.constant 0 : i32
        %dma_wait3A_177 = tpu.memref_slice %arg7[%dma_wait3A_169, %dma_wait3A_176] : memref<2x4096xf32, #tpu.memory_space<vmem>> -> memref<1x4096xf32, #tpu.memory_space<vmem>>
        %dma_wait3A_178 = tpu.memref_squeeze %dma_wait3A_177 : memref<1x4096xf32, #tpu.memory_space<vmem>> -> memref<4096xf32, #tpu.memory_space<vmem>>
        %dma_wait3A_179 = arith.constant 0 : i32
        %dma_wait3A_180 = tpu.memref_slice %arg4[%select_n3A, %rem3A_58, %dma_wait3A_179] : memref<26x16x16384xf32, #tpu.memory_space<hbm>> -> memref<1x1x4096xf32, #tpu.memory_space<hbm>>
        %dma_wait3A_181 = tpu.memref_squeeze %dma_wait3A_180 : memref<1x1x4096xf32, #tpu.memory_space<hbm>> -> memref<4096xf32, #tpu.memory_space<hbm>>
        tpu.wait_dma2 semaphore(%arg9 : memref<!tpu.dma_semaphore, #tpu.memory_space<semaphore_mem>>) src(%dma_wait3A_181 : memref<4096xf32, #tpu.memory_space<hbm>>) dst(%dma_wait3A_178 : memref<4096xf32, #tpu.memory_space<vmem>>)
      } else {
      }
      %parallel_loop3A = arith.constant 0 : i32
      %parallel_loop3A_67 = arith.constant 256 : i32
      %parallel_loop3A_68 = arith.constant 1 : i32
      scf.for %parallel_loop3A_156 = %parallel_loop3A to %parallel_loop3A_67 step %parallel_loop3A_68  : i32 {
        %parallel_loop3A_157 = arith.constant 16 : i32
        %parallel_loop3A_158 = arith.muli %parallel_loop3A_156, %parallel_loop3A_157 : i32
        %parallel_loop3A_159 = arith.constant 0 : i32
        %parallel_loop3A_160 = arith.addi %parallel_loop3A_159, %parallel_loop3A_158 : i32
        %parallel_loop3A_161 = arith.index_cast %parallel_loop3A_160 : i32 to index
        %parallel_loop3A_162 = tpu.vector_load %arg6[%parallel_loop3A_161] {strides = array<i32>} : memref<16384xi32, #tpu.memory_space<vmem>>, vector<16xi32>,
        %parallel_loop3A_163 = tpu.vector_load_idx %arg5[%parallel_loop3A_162] : memref<100001xf32, #tpu.memory_space<vmem>>[vector<16xi32>], vector<16xf32>,
        %parallel_loop3A_164 = arith.constant 16 : i32
        %parallel_loop3A_165 = arith.muli %parallel_loop3A_156, %parallel_loop3A_164 : i32
        %parallel_loop3A_166 = arith.constant 0 : i32
        %parallel_loop3A_167 = arith.index_cast %parallel_loop3A_166 : i32 to index
        %parallel_loop3A_168 = arith.index_cast %parallel_loop3A_165 : i32 to index
        %parallel_loop3A_169 = tpu.vector_load %arg7[%parallel_loop3A_167, %parallel_loop3A_168] {strides = array<i32>} : memref<2x4096xf32, #tpu.memory_space<vmem>>, vector<16xf32>,
        tpu.vector_store %arg7[%parallel_loop3A_167, %parallel_loop3A_168], %parallel_loop3A_163 {strides = array<i32>} : memref<2x4096xf32, #tpu.memory_space<vmem>>, vector<16xf32>,
      } {sc.loop_unroll_factor = 8 : i64, sc.parallel_access}
      %dma_start3A = arith.constant 0 : i32
      %dma_start3A_69 = arith.constant 0 : i32
      %dma_start3A_70 = tpu.memref_slice %arg7[%dma_start3A, %dma_start3A_69] : memref<2x4096xf32, #tpu.memory_space<vmem>> -> memref<1x4096xf32, #tpu.memory_space<vmem>>
      %dma_start3A_71 = tpu.memref_squeeze %dma_start3A_70 : memref<1x4096xf32, #tpu.memory_space<vmem>> -> memref<4096xf32, #tpu.memory_space<vmem>>
      %dma_start3A_72 = arith.constant 0 : i32
      %dma_start3A_73 = tpu.memref_slice %arg4[%select_n3A, %rem3A_58, %dma_start3A_72] : memref<26x16x16384xf32, #tpu.memory_space<hbm>> -> memref<1x1x4096xf32, #tpu.memory_space<hbm>>
      %dma_start3A_74 = tpu.memref_squeeze %dma_start3A_73 : memref<1x1x4096xf32, #tpu.memory_space<hbm>> -> memref<4096xf32, #tpu.memory_space<hbm>>
      %dma_start3A_75 = arith.constant 0 : i32
      %dma_start3A_76 = tpu.memref_slice %arg4[%select_n3A, %rem3A_58, %dma_start3A_75] : memref<26x16x16384xf32, #tpu.memory_space<hbm>> -> memref<1x1x4096xf32, #tpu.memory_space<hbm>>
      %dma_start3A_77 = tpu.memref_squeeze %dma_start3A_76 : memref<1x1x4096xf32, #tpu.memory_space<hbm>> -> memref<4096xf32, #tpu.memory_space<hbm>>
      %dma_start3A_78 = arith.constant 0 : i32
      %dma_start3A_79 = tpu.memref_slice %arg7[%dma_start3A, %dma_start3A_78] : memref<2x4096xf32, #tpu.memory_space<vmem>> -> memref<1x4096xf32, #tpu.memory_space<vmem>>
      %dma_start3A_80 = tpu.memref_squeeze %dma_start3A_79 : memref<1x4096xf32, #tpu.memory_space<vmem>> -> memref<4096xf32, #tpu.memory_space<vmem>>
      tpu.enqueue_dma source(%dma_start3A_80 : memref<4096xf32, #tpu.memory_space<vmem>>) target(%dma_start3A_77 : memref<4096xf32, #tpu.memory_space<hbm>>) target_semaphore(%arg9 : memref<!tpu.dma_semaphore, #tpu.memory_space<semaphore_mem>>)
      %parallel_loop3A_81 = arith.constant 0 : i32
      %parallel_loop3A_82 = arith.constant 256 : i32
      %parallel_loop3A_83 = arith.constant 1 : i32
      scf.for %parallel_loop3A_156 = %parallel_loop3A_81 to %parallel_loop3A_82 step %parallel_loop3A_83  : i32 {
        %parallel_loop3A_157 = arith.constant 16 : i32
        %parallel_loop3A_158 = arith.muli %parallel_loop3A_156, %parallel_loop3A_157 : i32
        %parallel_loop3A_159 = arith.constant 4096 : i32
        %parallel_loop3A_160 = arith.addi %parallel_loop3A_159, %parallel_loop3A_158 : i32
        %parallel_loop3A_161 = arith.index_cast %parallel_loop3A_160 : i32 to index
        %parallel_loop3A_162 = tpu.vector_load %arg6[%parallel_loop3A_161] {strides = array<i32>} : memref<16384xi32, #tpu.memory_space<vmem>>, vector<16xi32>,
        %parallel_loop3A_163 = tpu.vector_load_idx %arg5[%parallel_loop3A_162] : memref<100001xf32, #tpu.memory_space<vmem>>[vector<16xi32>], vector<16xf32>,
        %parallel_loop3A_164 = arith.constant 16 : i32
        %parallel_loop3A_165 = arith.muli %parallel_loop3A_156, %parallel_loop3A_164 : i32
        %parallel_loop3A_166 = arith.constant 1 : i32
        %parallel_loop3A_167 = arith.index_cast %parallel_loop3A_166 : i32 to index
        %parallel_loop3A_168 = arith.index_cast %parallel_loop3A_165 : i32 to index
        %parallel_loop3A_169 = tpu.vector_load %arg7[%parallel_loop3A_167, %parallel_loop3A_168] {strides = array<i32>} : memref<2x4096xf32, #tpu.memory_space<vmem>>, vector<16xf32>,
        tpu.vector_store %arg7[%parallel_loop3A_167, %parallel_loop3A_168], %parallel_loop3A_163 {strides = array<i32>} : memref<2x4096xf32, #tpu.memory_space<vmem>>, vector<16xf32>,
      } {sc.loop_unroll_factor = 8 : i64, sc.parallel_access}
      %dma_start3A_84 = arith.constant 1 : i32
      %dma_start3A_85 = arith.constant 0 : i32
      %dma_start3A_86 = tpu.memref_slice %arg7[%dma_start3A_84, %dma_start3A_85] : memref<2x4096xf32, #tpu.memory_space<vmem>> -> memref<1x4096xf32, #tpu.memory_space<vmem>>
      %dma_start3A_87 = tpu.memref_squeeze %dma_start3A_86 : memref<1x4096xf32, #tpu.memory_space<vmem>> -> memref<4096xf32, #tpu.memory_space<vmem>>
      %dma_start3A_88 = arith.constant 4096 : i32
      %dma_start3A_89 = tpu.memref_slice %arg4[%select_n3A, %rem3A_58, %dma_start3A_88] : memref<26x16x16384xf32, #tpu.memory_space<hbm>> -> memref<1x1x4096xf32, #tpu.memory_space<hbm>>
      %dma_start3A_90 = tpu.memref_squeeze %dma_start3A_89 : memref<1x1x4096xf32, #tpu.memory_space<hbm>> -> memref<4096xf32, #tpu.memory_space<hbm>>
      %dma_start3A_91 = arith.constant 4096 : i32
      %dma_start3A_92 = tpu.memref_slice %arg4[%select_n3A, %rem3A_58, %dma_start3A_91] : memref<26x16x16384xf32, #tpu.memory_space<hbm>> -> memref<1x1x4096xf32, #tpu.memory_space<hbm>>
      %dma_start3A_93 = tpu.memref_squeeze %dma_start3A_92 : memref<1x1x4096xf32, #tpu.memory_space<hbm>> -> memref<4096xf32, #tpu.memory_space<hbm>>
      %dma_start3A_94 = arith.constant 0 : i32
      %dma_start3A_95 = tpu.memref_slice %arg7[%dma_start3A_84, %dma_start3A_94] : memref<2x4096xf32, #tpu.memory_space<vmem>> -> memref<1x4096xf32, #tpu.memory_space<vmem>>
      %dma_start3A_96 = tpu.memref_squeeze %dma_start3A_95 : memref<1x4096xf32, #tpu.memory_space<vmem>> -> memref<4096xf32, #tpu.memory_space<vmem>>
      tpu.enqueue_dma source(%dma_start3A_96 : memref<4096xf32, #tpu.memory_space<vmem>>) target(%dma_start3A_93 : memref<4096xf32, #tpu.memory_space<hbm>>) target_semaphore(%arg9 : memref<!tpu.dma_semaphore, #tpu.memory_space<semaphore_mem>>)
      %dma_wait3A_97 = arith.constant 0 : i32
      %dma_wait3A_98 = arith.constant 0 : i32
      %dma_wait3A_99 = tpu.memref_slice %arg7[%dma_wait3A_97, %dma_wait3A_98] : memref<2x4096xf32, #tpu.memory_space<vmem>> -> memref<1x4096xf32, #tpu.memory_space<vmem>>
      %dma_wait3A_100 = tpu.memref_squeeze %dma_wait3A_99 : memref<1x4096xf32, #tpu.memory_space<vmem>> -> memref<4096xf32, #tpu.memory_space<vmem>>
      %dma_wait3A_101 = arith.constant 0 : i32
      %dma_wait3A_102 = tpu.memref_slice %arg4[%select_n3A, %rem3A_58, %dma_wait3A_101] : memref<26x16x16384xf32, #tpu.memory_space<hbm>> -> memref<1x1x4096xf32, #tpu.memory_space<hbm>>
      %dma_wait3A_103 = tpu.memref_squeeze %dma_wait3A_102 : memref<1x1x4096xf32, #tpu.memory_space<hbm>> -> memref<4096xf32, #tpu.memory_space<hbm>>
      %dma_wait3A_104 = arith.constant 0 : i32
      %dma_wait3A_105 = tpu.memref_slice %arg4[%select_n3A, %rem3A_58, %dma_wait3A_104] : memref<26x16x16384xf32, #tpu.memory_space<hbm>> -> memref<1x1x4096xf32, #tpu.memory_space<hbm>>
      %dma_wait3A_106 = tpu.memref_squeeze %dma_wait3A_105 : memref<1x1x4096xf32, #tpu.memory_space<hbm>> -> memref<4096xf32, #tpu.memory_space<hbm>>
      %dma_wait3A_107 = arith.constant 0 : i32
      %dma_wait3A_108 = tpu.memref_slice %arg7[%dma_wait3A_97, %dma_wait3A_107] : memref<2x4096xf32, #tpu.memory_space<vmem>> -> memref<1x4096xf32, #tpu.memory_space<vmem>>
      %dma_wait3A_109 = tpu.memref_squeeze %dma_wait3A_108 : memref<1x4096xf32, #tpu.memory_space<vmem>> -> memref<4096xf32, #tpu.memory_space<vmem>>
      tpu.wait_dma2 semaphore(%arg9 : memref<!tpu.dma_semaphore, #tpu.memory_space<semaphore_mem>>) src(%dma_wait3A_109 : memref<4096xf32, #tpu.memory_space<vmem>>) dst(%dma_wait3A_106 : memref<4096xf32, #tpu.memory_space<hbm>>)
      %parallel_loop3A_110 = arith.constant 0 : i32
      %parallel_loop3A_111 = arith.constant 256 : i32
      %parallel_loop3A_112 = arith.constant 1 : i32
      scf.for %parallel_loop3A_156 = %parallel_loop3A_110 to %parallel_loop3A_111 step %parallel_loop3A_112  : i32 {
        %parallel_loop3A_157 = arith.constant 16 : i32
        %parallel_loop3A_158 = arith.muli %parallel_loop3A_156, %parallel_loop3A_157 : i32
        %parallel_loop3A_159 = arith.constant 8192 : i32
        %parallel_loop3A_160 = arith.addi %parallel_loop3A_159, %parallel_loop3A_158 : i32
        %parallel_loop3A_161 = arith.index_cast %parallel_loop3A_160 : i32 to index
        %parallel_loop3A_162 = tpu.vector_load %arg6[%parallel_loop3A_161] {strides = array<i32>} : memref<16384xi32, #tpu.memory_space<vmem>>, vector<16xi32>,
        %parallel_loop3A_163 = tpu.vector_load_idx %arg5[%parallel_loop3A_162] : memref<100001xf32, #tpu.memory_space<vmem>>[vector<16xi32>], vector<16xf32>,
        %parallel_loop3A_164 = arith.constant 16 : i32
        %parallel_loop3A_165 = arith.muli %parallel_loop3A_156, %parallel_loop3A_164 : i32
        %parallel_loop3A_166 = arith.constant 0 : i32
        %parallel_loop3A_167 = arith.index_cast %parallel_loop3A_166 : i32 to index
        %parallel_loop3A_168 = arith.index_cast %parallel_loop3A_165 : i32 to index
        %parallel_loop3A_169 = tpu.vector_load %arg7[%parallel_loop3A_167, %parallel_loop3A_168] {strides = array<i32>} : memref<2x4096xf32, #tpu.memory_space<vmem>>, vector<16xf32>,
        tpu.vector_store %arg7[%parallel_loop3A_167, %parallel_loop3A_168], %parallel_loop3A_163 {strides = array<i32>} : memref<2x4096xf32, #tpu.memory_space<vmem>>, vector<16xf32>,
      } {sc.loop_unroll_factor = 8 : i64, sc.parallel_access}
      %dma_start3A_113 = arith.constant 0 : i32
      %dma_start3A_114 = arith.constant 0 : i32
      %dma_start3A_115 = tpu.memref_slice %arg7[%dma_start3A_113, %dma_start3A_114] : memref<2x4096xf32, #tpu.memory_space<vmem>> -> memref<1x4096xf32, #tpu.memory_space<vmem>>
      %dma_start3A_116 = tpu.memref_squeeze %dma_start3A_115 : memref<1x4096xf32, #tpu.memory_space<vmem>> -> memref<4096xf32, #tpu.memory_space<vmem>>
      %dma_start3A_117 = arith.constant 8192 : i32
      %dma_start3A_118 = tpu.memref_slice %arg4[%select_n3A, %rem3A_58, %dma_start3A_117] : memref<26x16x16384xf32, #tpu.memory_space<hbm>> -> memref<1x1x4096xf32, #tpu.memory_space<hbm>>
      %dma_start3A_119 = tpu.memref_squeeze %dma_start3A_118 : memref<1x1x4096xf32, #tpu.memory_space<hbm>> -> memref<4096xf32, #tpu.memory_space<hbm>>
      %dma_start3A_120 = arith.constant 8192 : i32
      %dma_start3A_121 = tpu.memref_slice %arg4[%select_n3A, %rem3A_58, %dma_start3A_120] : memref<26x16x16384xf32, #tpu.memory_space<hbm>> -> memref<1x1x4096xf32, #tpu.memory_space<hbm>>
      %dma_start3A_122 = tpu.memref_squeeze %dma_start3A_121 : memref<1x1x4096xf32, #tpu.memory_space<hbm>> -> memref<4096xf32, #tpu.memory_space<hbm>>
      %dma_start3A_123 = arith.constant 0 : i32
      %dma_start3A_124 = tpu.memref_slice %arg7[%dma_start3A_113, %dma_start3A_123] : memref<2x4096xf32, #tpu.memory_space<vmem>> -> memref<1x4096xf32, #tpu.memory_space<vmem>>
      %dma_start3A_125 = tpu.memref_squeeze %dma_start3A_124 : memref<1x4096xf32, #tpu.memory_space<vmem>> -> memref<4096xf32, #tpu.memory_space<vmem>>
      tpu.enqueue_dma source(%dma_start3A_125 : memref<4096xf32, #tpu.memory_space<vmem>>) target(%dma_start3A_122 : memref<4096xf32, #tpu.memory_space<hbm>>) target_semaphore(%arg9 : memref<!tpu.dma_semaphore, #tpu.memory_space<semaphore_mem>>)
      %dma_wait3A_126 = arith.constant 1 : i32
      %dma_wait3A_127 = arith.constant 0 : i32
      %dma_wait3A_128 = tpu.memref_slice %arg7[%dma_wait3A_126, %dma_wait3A_127] : memref<2x4096xf32, #tpu.memory_space<vmem>> -> memref<1x4096xf32, #tpu.memory_space<vmem>>
      %dma_wait3A_129 = tpu.memref_squeeze %dma_wait3A_128 : memref<1x4096xf32, #tpu.memory_space<vmem>> -> memref<4096xf32, #tpu.memory_space<vmem>>
      %dma_wait3A_130 = arith.constant 4096 : i32
      %dma_wait3A_131 = tpu.memref_slice %arg4[%select_n3A, %rem3A_58, %dma_wait3A_130] : memref<26x16x16384xf32, #tpu.memory_space<hbm>> -> memref<1x1x4096xf32, #tpu.memory_space<hbm>>
      %dma_wait3A_132 = tpu.memref_squeeze %dma_wait3A_131 : memref<1x1x4096xf32, #tpu.memory_space<hbm>> -> memref<4096xf32, #tpu.memory_space<hbm>>
      %dma_wait3A_133 = arith.constant 4096 : i32
      %dma_wait3A_134 = tpu.memref_slice %arg4[%select_n3A, %rem3A_58, %dma_wait3A_133] : memref<26x16x16384xf32, #tpu.memory_space<hbm>> -> memref<1x1x4096xf32, #tpu.memory_space<hbm>>
      %dma_wait3A_135 = tpu.memref_squeeze %dma_wait3A_134 : memref<1x1x4096xf32, #tpu.memory_space<hbm>> -> memref<4096xf32, #tpu.memory_space<hbm>>
      %dma_wait3A_136 = arith.constant 0 : i32
      %dma_wait3A_137 = tpu.memref_slice %arg7[%dma_wait3A_126, %dma_wait3A_136] : memref<2x4096xf32, #tpu.memory_space<vmem>> -> memref<1x4096xf32, #tpu.memory_space<vmem>>
      %dma_wait3A_138 = tpu.memref_squeeze %dma_wait3A_137 : memref<1x4096xf32, #tpu.memory_space<vmem>> -> memref<4096xf32, #tpu.memory_space<vmem>>
      tpu.wait_dma2 semaphore(%arg9 : memref<!tpu.dma_semaphore, #tpu.memory_space<semaphore_mem>>) src(%dma_wait3A_138 : memref<4096xf32, #tpu.memory_space<vmem>>) dst(%dma_wait3A_135 : memref<4096xf32, #tpu.memory_space<hbm>>)
      %parallel_loop3A_139 = arith.constant 0 : i32
      %parallel_loop3A_140 = arith.constant 256 : i32
      %parallel_loop3A_141 = arith.constant 1 : i32
      scf.for %parallel_loop3A_156 = %parallel_loop3A_139 to %parallel_loop3A_140 step %parallel_loop3A_141  : i32 {
        %parallel_loop3A_157 = arith.constant 16 : i32
        %parallel_loop3A_158 = arith.muli %parallel_loop3A_156, %parallel_loop3A_157 : i32
        %parallel_loop3A_159 = arith.constant 12288 : i32
        %parallel_loop3A_160 = arith.addi %parallel_loop3A_159, %parallel_loop3A_158 : i32
        %parallel_loop3A_161 = arith.index_cast %parallel_loop3A_160 : i32 to index
        %parallel_loop3A_162 = tpu.vector_load %arg6[%parallel_loop3A_161] {strides = array<i32>} : memref<16384xi32, #tpu.memory_space<vmem>>, vector<16xi32>,
        %parallel_loop3A_163 = tpu.vector_load_idx %arg5[%parallel_loop3A_162] : memref<100001xf32, #tpu.memory_space<vmem>>[vector<16xi32>], vector<16xf32>,
        %parallel_loop3A_164 = arith.constant 16 : i32
        %parallel_loop3A_165 = arith.muli %parallel_loop3A_156, %parallel_loop3A_164 : i32
        %parallel_loop3A_166 = arith.constant 1 : i32
        %parallel_loop3A_167 = arith.index_cast %parallel_loop3A_166 : i32 to index
        %parallel_loop3A_168 = arith.index_cast %parallel_loop3A_165 : i32 to index
        %parallel_loop3A_169 = tpu.vector_load %arg7[%parallel_loop3A_167, %parallel_loop3A_168] {strides = array<i32>} : memref<2x4096xf32, #tpu.memory_space<vmem>>, vector<16xf32>,
        tpu.vector_store %arg7[%parallel_loop3A_167, %parallel_loop3A_168], %parallel_loop3A_163 {strides = array<i32>} : memref<2x4096xf32, #tpu.memory_space<vmem>>, vector<16xf32>,
      } {sc.loop_unroll_factor = 8 : i64, sc.parallel_access}
      %dma_start3A_142 = arith.constant 1 : i32
      %dma_start3A_143 = arith.constant 0 : i32
      %dma_start3A_144 = tpu.memref_slice %arg7[%dma_start3A_142, %dma_start3A_143] : memref<2x4096xf32, #tpu.memory_space<vmem>> -> memref<1x4096xf32, #tpu.memory_space<vmem>>
      %dma_start3A_145 = tpu.memref_squeeze %dma_start3A_144 : memref<1x4096xf32, #tpu.memory_space<vmem>> -> memref<4096xf32, #tpu.memory_space<vmem>>
      %dma_start3A_146 = arith.constant 12288 : i32
      %dma_start3A_147 = tpu.memref_slice %arg4[%select_n3A, %rem3A_58, %dma_start3A_146] : memref<26x16x16384xf32, #tpu.memory_space<hbm>> -> memref<1x1x4096xf32, #tpu.memory_space<hbm>>
      %dma_start3A_148 = tpu.memref_squeeze %dma_start3A_147 : memref<1x1x4096xf32, #tpu.memory_space<hbm>> -> memref<4096xf32, #tpu.memory_space<hbm>>
      %dma_start3A_149 = arith.constant 12288 : i32
      %dma_start3A_150 = tpu.memref_slice %arg4[%select_n3A, %rem3A_58, %dma_start3A_149] : memref<26x16x16384xf32, #tpu.memory_space<hbm>> -> memref<1x1x4096xf32, #tpu.memory_space<hbm>>
      %dma_start3A_151 = tpu.memref_squeeze %dma_start3A_150 : memref<1x1x4096xf32, #tpu.memory_space<hbm>> -> memref<4096xf32, #tpu.memory_space<hbm>>
      %dma_start3A_152 = arith.constant 0 : i32
      %dma_start3A_153 = tpu.memref_slice %arg7[%dma_start3A_142, %dma_start3A_152] : memref<2x4096xf32, #tpu.memory_space<vmem>> -> memref<1x4096xf32, #tpu.memory_space<vmem>>
      %dma_start3A_154 = tpu.memref_squeeze %dma_start3A_153 : memref<1x4096xf32, #tpu.memory_space<vmem>> -> memref<4096xf32, #tpu.memory_space<vmem>>
      tpu.enqueue_dma source(%dma_start3A_154 : memref<4096xf32, #tpu.memory_space<vmem>>) target(%dma_start3A_151 : memref<4096xf32, #tpu.memory_space<hbm>>) target_semaphore(%arg9 : memref<!tpu.dma_semaphore, #tpu.memory_space<semaphore_mem>>)
      %scan3A_155 = arith.constant 0 : i32
      scf.yield %scan3A_155 : i32
    }
    %scan3A_8 = arith.constant 13 : i32
    %dma_wait3A = arith.constant 0 : i32
    %dma_wait3A_9 = arith.constant 0 : i32
    %dma_wait3A_10 = arith.constant 0 : i32
    %dma_wait3A_11 = arith.constant 0 : i32
    %dma_wait3A_12 = tpu.memref_slice %arg7[%dma_wait3A_10, %dma_wait3A_11] : memref<2x4096xf32, #tpu.memory_space<vmem>> -> memref<1x4096xf32, #tpu.memory_space<vmem>>
    %dma_wait3A_13 = tpu.memref_squeeze %dma_wait3A_12 : memref<1x4096xf32, #tpu.memory_space<vmem>> -> memref<4096xf32, #tpu.memory_space<vmem>>
    %dma_wait3A_14 = arith.constant 0 : i32
    %dma_wait3A_15 = tpu.memref_slice %arg4[%dma_wait3A, %dma_wait3A_9, %dma_wait3A_14] : memref<26x16x16384xf32, #tpu.memory_space<hbm>> -> memref<1x1x4096xf32, #tpu.memory_space<hbm>>
    %dma_wait3A_16 = tpu.memref_squeeze %dma_wait3A_15 : memref<1x1x4096xf32, #tpu.memory_space<hbm>> -> memref<4096xf32, #tpu.memory_space<hbm>>
    %dma_wait3A_17 = arith.constant 0 : i32
    %dma_wait3A_18 = tpu.memref_slice %arg7[%dma_wait3A_10, %dma_wait3A_17] : memref<2x4096xf32, #tpu.memory_space<vmem>> -> memref<1x4096xf32, #tpu.memory_space<vmem>>
    %dma_wait3A_19 = tpu.memref_squeeze %dma_wait3A_18 : memref<1x4096xf32, #tpu.memory_space<vmem>> -> memref<4096xf32, #tpu.memory_space<vmem>>
    %dma_wait3A_20 = arith.constant 0 : i32
    %dma_wait3A_21 = tpu.memref_slice %arg4[%dma_wait3A, %dma_wait3A_9, %dma_wait3A_20] : memref<26x16x16384xf32, #tpu.memory_space<hbm>> -> memref<1x1x4096xf32, #tpu.memory_space<hbm>>
    %dma_wait3A_22 = tpu.memref_squeeze %dma_wait3A_21 : memref<1x1x4096xf32, #tpu.memory_space<hbm>> -> memref<4096xf32, #tpu.memory_space<hbm>>
    tpu.wait_dma2 semaphore(%arg9 : memref<!tpu.dma_semaphore, #tpu.memory_space<semaphore_mem>>) src(%dma_wait3A_22 : memref<4096xf32, #tpu.memory_space<hbm>>) dst(%dma_wait3A_19 : memref<4096xf32, #tpu.memory_space<vmem>>)
    %dma_wait3A_23 = arith.constant 0 : i32
    %dma_wait3A_24 = arith.constant 0 : i32
    %dma_wait3A_25 = arith.constant 0 : i32
    %dma_wait3A_26 = arith.constant 0 : i32
    %dma_wait3A_27 = tpu.memref_slice %arg7[%dma_wait3A_25, %dma_wait3A_26] : memref<2x4096xf32, #tpu.memory_space<vmem>> -> memref<1x4096xf32, #tpu.memory_space<vmem>>
    %dma_wait3A_28 = tpu.memref_squeeze %dma_wait3A_27 : memref<1x4096xf32, #tpu.memory_space<vmem>> -> memref<4096xf32, #tpu.memory_space<vmem>>
    %dma_wait3A_29 = arith.constant 0 : i32
    %dma_wait3A_30 = tpu.memref_slice %arg4[%dma_wait3A_23, %dma_wait3A_24, %dma_wait3A_29] : memref<26x16x16384xf32, #tpu.memory_space<hbm>> -> memref<1x1x4096xf32, #tpu.memory_space<hbm>>
    %dma_wait3A_31 = tpu.memref_squeeze %dma_wait3A_30 : memref<1x1x4096xf32, #tpu.memory_space<hbm>> -> memref<4096xf32, #tpu.memory_space<hbm>>
    %dma_wait3A_32 = arith.constant 0 : i32
    %dma_wait3A_33 = tpu.memref_slice %arg7[%dma_wait3A_25, %dma_wait3A_32] : memref<2x4096xf32, #tpu.memory_space<vmem>> -> memref<1x4096xf32, #tpu.memory_space<vmem>>
    %dma_wait3A_34 = tpu.memref_squeeze %dma_wait3A_33 : memref<1x4096xf32, #tpu.memory_space<vmem>> -> memref<4096xf32, #tpu.memory_space<vmem>>
    %dma_wait3A_35 = arith.constant 0 : i32
    %dma_wait3A_36 = tpu.memref_slice %arg4[%dma_wait3A_23, %dma_wait3A_24, %dma_wait3A_35] : memref<26x16x16384xf32, #tpu.memory_space<hbm>> -> memref<1x1x4096xf32, #tpu.memory_space<hbm>>
    %dma_wait3A_37 = tpu.memref_squeeze %dma_wait3A_36 : memref<1x1x4096xf32, #tpu.memory_space<hbm>> -> memref<4096xf32, #tpu.memory_space<hbm>>
    tpu.wait_dma2 semaphore(%arg9 : memref<!tpu.dma_semaphore, #tpu.memory_space<semaphore_mem>>) src(%dma_wait3A_37 : memref<4096xf32, #tpu.memory_space<hbm>>) dst(%dma_wait3A_34 : memref<4096xf32, #tpu.memory_space<vmem>>)
    return
  }
}

</mosaic_0001>

<sc_bundles>
// kernel: _embed.3.cloned.1.call-start
scs
__scs_entry_jumppad:
0x0: {  	(pc) =	sbr.rel $0x88, $3  }
0x1: {  	(tag) =	ssettag $0x0;
	lr =	simm.s32 $0x1  }
0x2: {  	[smem:$0x3F9F] =	sst lr;
	_ =	strace $0xD0000000  }
0x3: {  	_ = 	snop  }
0x4: {  	_ = 	snop  }
0x5: {  	_ = 	snop  }
0x6: {  	_ = 	snop  }
0x7: {  	_ = 	snop  }
__scs_overlays_trampoline_lowered:
0x8: {  	[smem:$0x3FAE] =	sst s0  }
0x9: {  	[smem:$0x3FAF] =	sst s1  }
0xa: {  	[smem:$0x3FB0] =	sst s2  }
0xb: {  	[smem:$0x3FB1] =	sst s3  }
0xc: {  	[smem:$0x3FB2] =	sst s4  }
0xd: {  	[smem:$0x3FB3] =	sst s5  }
0xe: {  	[smem:$0x3FB4] =	sst s6  }
0xf: {  	[smem:$0x3FB5] =	sst s7  }
0x10: {  	[smem:$0x3FB6] =	sst s8  }
0x11: {  	[smem:$0x3FB7] =	sst s9;
	s0 =	simm.s32 @!p0 $0x0  }
0x12: {  	s1 =	sld [smem:$0x3F9D];
	s0 =	simm.s32 @p0 $0x1  }
0x13: {  	[smem:$0x3FB8] =	sst s0;
	s0 =	simm.s32 @!p1 $0x0  }
0x14: {  	s2 =	sld [smem:$0x3F9C];
	s0 =	simm.s32 @p1 $0x1  }
0x15: {  	[smem:$0x3FB9] =	sst s0;
	s0 =	simm.s32 @!p2 $0x0  }
0x16: {  	s3 =	sld [smem:$0x3FDB];
	s0 =	simm.s32 @p2 $0x1  }
0x17: {  	s4 =	simm.s32 $0x1BF5;
	[smem:$0x3FBB] =	sst s0  }
0x18: {  	s0 =	sld [smem:$0x3F9E];
	_ =	swait.ge [sflag:s4], $0x0  }
0x19: {  	s7 =	sld [smem:$0x3F9F]  }
0x1a: {  	s8 =	sadd.s32 $0xFFFFE003, lr  }
0x1b: {  	s9 =	sadd.s32 $0xFFFFFEF7, lr;
	s5 =	simm.s32 $0xFFFFFFFF;
	p2 =	slt.u32 s8, $0xFFFFF086  }
0x1c: {  	p1 =	slt.u32 s9, $0xF7A;
	s5 =	simm.s32 @!p2 $0x0  }
0x1d: {  	s5 =	simm.s32 @p1 $0x1;
	p0 =	seq.s32 s7, s2  }
0x1e: {  	s7 =	smul.u32 @!p0 $0xF7A, s2;
	p2 =	seq.s32 @!p0 s5, $0x0  }
0x1f: {  	s9 =	smul.u32 $0xF7A, s1;
	s8 =	simm.s32 @!p0 $0x1BF5;
	p2 =	por !p2, p0  }
0x20: {  	[sflag:s8] =	ssyncset.s32 @!p0 $0xFFFFF086;
	s6 =	sadd.s32 @!p0 s3, s7;
	s7 =	simm.s32 @!p0 $0x108  }
0x21: {  	s3 =	sadd.s32 s3, s9;
	s6 =	sadd.s32 @!p0 $0x88, s6;
	s7 =	simm.s32 @p2 $0x1082  }
0x22: {  	[simem:s7], [sflag:s8] =	dma.local @!p0 [hbm:s6], $0xF7A  }
0x23: {  	s9 =	sor.u32 $0xD0000000, s2;
	s6 =	simm.s32 $0x108;
	_ =	swait.ge @!p0 [sflag:s8], $0x0  }
0x24: {  	s3 =	sadd.s32 $0x88, s3;
	s6 =	simm.s32 @!p1 $0x1082;
	[sflag:s4] =	ssyncset.s32 $0xFFFFF086  }
0x25: {  	[simem:s6], [sflag:s4] =	dma.local [hbm:s3], $0xF7A  }
0x26: {  	[smem:$0x3F9F] =	sst s1;
	(tag) =	ssettag s2;
	_ =	strace s9  }
0x27: {  	s1 =	sld [smem:$0x3FAF]  }
0x28: {  	s2 =	sld [smem:$0x3FB0]  }
0x29: {  	s4 =	sld [smem:$0x3FB2]  }
0x2a: {  	p0 =	seq.s32 s5, $0x0;
	s5 =	sld [smem:$0x3FB3]  }
0x2b: {  	s6 =	sld [smem:$0x3FB4]  }
0x2c: {  	s7 =	sld [smem:$0x3FB5]  }
0x2d: {  	s3 =	simm.s32 $0x108;
	s8 =	sld [smem:$0x3FB6]  }
0x2e: {  	s3 =	simm.s32 @!p0 $0x1082;
	s9 =	sld [smem:$0x3FB7]  }
0x2f: {  	lr =	sadd.s32 s0, s3;
	s0 =	sld [smem:$0x3FAE]  }
0x30: {  	s3 =	sld [smem:$0x3FB1]  }
0x31: {  	[smem:$0x3FBA] =	sst s10  }
0x32: {  	s10 =	sld [smem:$0x3FB8];
	_ =	sdelay $0x3  }
0x33: {  	p0 =	seq.s32 s10, $0x1;
	s10 =	sld [smem:$0x3FBA];
	_ =	sdelay $0x3  }
0x34: {  	[smem:$0x3FBA] =	sst s10  }
0x35: {  	s10 =	sld [smem:$0x3FB9];
	_ =	sdelay $0x3  }
0x36: {  	p1 =	seq.s32 s10, $0x1;
	s10 =	sld [smem:$0x3FBA];
	_ =	sdelay $0x3  }
0x37: {  	[smem:$0x3FBA] =	sst s10  }
0x38: {  	s10 =	sld [smem:$0x3FBB]  }
0x39: {  	_ = 	snop;
	(pc) =	sbr.ind lr, $3  }
0x3a: {  	_ = 	snop  }
0x3b: {  	_ = 	snop  }
0x3c: {  	p2 =	seq.s32 s10, $0x1;
	s10 =	sld [smem:$0x3FBA]  }
0x3d: {  	_ =	shalt  }
0x3e: {  	_ =	shalt  }
0x3f: {  	_ =	shalt  }
0x40: {  	_ =	shalt  }
0x41: {  	_ =	shalt  }
0x42: {  	_ =	shalt  }
0x43: {  	_ =	shalt  }
0x44: {  	_ =	shalt  }
0x45: {  	_ =	shalt  }
0x46: {  	_ =	shalt  }
0x47: {  	_ =	shalt  }
0x48: {  	_ =	shalt  }
0x49: {  	_ =	shalt  }
0x4a: {  	_ =	shalt  }
0x4b: {  	_ =	shalt  }
0x4c: {  	_ =	shalt  }
0x4d: {  	_ =	shalt  }
0x4e: {  	_ =	shalt  }
0x4f: {  	_ =	shalt  }
0x50: {  	_ =	shalt  }
0x51: {  	_ =	shalt  }
0x52: {  	_ =	shalt  }
0x53: {  	_ =	shalt  }
0x54: {  	_ =	shalt  }
0x55: {  	_ =	shalt  }
0x56: {  	_ =	shalt  }
0x57: {  	_ =	shalt  }
0x58: {  	_ =	shalt  }
0x59: {  	_ =	shalt  }
0x5a: {  	_ =	shalt  }
0x5b: {  	_ =	shalt  }
0x5c: {  	_ =	shalt  }
0x5d: {  	_ =	shalt  }
0x5e: {  	_ =	shalt  }
0x5f: {  	_ =	shalt  }
0x60: {  	_ =	shalt  }
0x61: {  	_ =	shalt  }
0x62: {  	_ =	shalt  }
0x63: {  	_ =	shalt  }
0x64: {  	_ =	shalt  }
0x65: {  	_ =	shalt  }
0x66: {  	_ =	shalt  }
0x67: {  	_ =	shalt  }
0x68: {  	_ =	shalt  }
0x69: {  	_ =	shalt  }
0x6a: {  	_ =	shalt  }
0x6b: {  	_ =	shalt  }
0x6c: {  	_ =	shalt  }
0x6d: {  	_ =	shalt  }
0x6e: {  	_ =	shalt  }
0x6f: {  	_ =	shalt  }
0x70: {  	_ =	shalt  }
0x71: {  	_ =	shalt  }
0x72: {  	_ =	shalt  }
0x73: {  	_ =	shalt  }
0x74: {  	_ =	shalt  }
0x75: {  	_ =	shalt  }
0x76: {  	_ =	shalt  }
0x77: {  	_ =	shalt  }
0x78: {  	_ =	shalt  }
0x79: {  	_ =	shalt  }
0x7a: {  	_ =	shalt  }
0x7b: {  	_ =	shalt  }
0x7c: {  	_ =	shalt  }
0x7d: {  	_ =	shalt  }
0x7e: {  	_ =	shalt  }
0x7f: {  	_ =	shalt  }
0x80: {  	_ =	shalt  }
0x81: {  	_ =	shalt  }
0x82: {  	_ =	shalt  }
0x83: {  	_ =	shalt  }
0x84: {  	_ =	shalt  }
0x85: {  	_ =	shalt  }
0x86: {  	_ =	shalt  }
0x87: {  	_ =	shalt  }
.Lfunc_end0:
.L_simem_size_0:
called_computation_lowered:
.L_overlay_start_0:
0x88: {  	s2 =	sld [smem:$0x3FD9]  }
0x89: {  	s3 =	sld [smem:$0x3FFE];
	_ =	sdelay $0x1  }
0x8a: {  	s1 =	srdreg.scid  }
0x8b: {  	s0 =	sand.u32 $0x1, s1  }
0x8c: {  	s18 =	sshll.u32 s0, $0xA;
	s2 =	sadd.s32 s3, s2  }
0x8d: {  	s2 =	sadd.s32 s2, s18  }
0x8e: {  	[smem:$0x3FC6] =	sst s2  }
0x8f: {  	_ = 	snop  }
0x90: {  	s2 =	sld [smem:$0x3FC9]  }
0x91: {  	s19 =	sld [smem:$0x3FC8]  }
0x92: {  	s4 =	sld [smem:$0x3FD0];
	(tm) =	ssettm $0x1  }
0x93: {  	s5 =	sld [smem:$0x3FFB];
	_ =	sdelay $0x3  }
0x94: {  	_ =	strace s5  }
0x95: {  	s5 =	sld [smem:$0x3FFC];
	_ =	sdelay $0x3  }
0x96: {  	_ =	strace s5  }
0x97: {  	s5 =	sld [smem:$0x3FFD];
	_ =	sdelay $0x3  }
0x98: {  	_ =	strace s5  }
0x99: {  	_ =	strace $0x8FFFFFFF  }
0x9a: {  	s20 =	sld [smem:$0x3FDB];
	_ =	sdelay $0x1  }
0x9b: {  	s6 =	simm.s32 $_scs_section_size  }
0x9c: {  	s7 =	simm.s32 $_size__tile_overlayer_lowered;
	s8 =	simm.s32 $_tile_overlayer_lowered  }
0x9d: {  	s23 =	simm.s32 $0x1BFF;
	s22 =	sshll.u32 s8, $0x1;
	s5 =	sadd.s32 s6, s20  }
0x9e: {  	s9 =	simm.s32 $0x0;
	s21 =	sshll.u32 s7, $0x1;
	s7 =	sadd.s32 s22, s5  }
0x9f: {  	[timem:s9], [sflag:s23] =	dma.local [hbm:s7], s21  }
0xa0: {  	_ =	swait.ge [sflag:s23], s21  }
0xa1: {  	s6 =	ssub.s32 $0x0, s21;
	[sflag:s23] =	ssyncset.done $0x0  }
0xa2: {  	[sflag:s23] =	ssyncadd.s32 s6;
	_ =	sdelay $0x1  }
0xa3: {  	s24 =	simm.s32 $0x1B8B  }
0xa4: {  	_ =	swait.ge [sflag:s24], $0x1  }
0xa5: {  	[sflag:s24] =	ssyncset.done $0x0  }
0xa6: {  	s25 =	simm.s32 $0x1B8E;
	[sflag:s24] =	ssyncadd.s32 $0xFFFFFFFF  }
0xa7: {  	s26 =	simm.s32 $execute0_lowered;
	[smem:$0x3FD2] =	sst s25  }
0xa8: {  	s6 =	sshll.u32 s26, $0x1;
	_ =	strace $0x80000046;
	[dreg:$0x1] =	wrdreg $0xFFFFFFFF  }
0xa9: {  	s28 =	simm.s32 $_size_execute0_lowered;
	s5 =	sadd.s32 s5, s6;
	[dreg:$0x0] =	wrdreg $0x0  }
0xaa: {  	s6 =	sshll.u32 s28, $0x1;
	[dreg:$0x2] =	wrdreg s5  }
0xab: {  	[dreg:$0x3] =	wrdreg s6  }
0xac: {  	[dreg:$0x4] =	wrdreg $0xC0  }
0xad: {  	_ =	task [dreg:s9], $0x5FFFF  }
0xae: {  	[dreg:$0x1] =	wrdreg $0xFFFFFFFF  }
0xaf: {  	[dreg:$0x0] =	wrdreg $0x60  }
0xb0: {  	[dreg:$0x2] =	wrdreg s19  }
0xb1: {  	[dreg:$0x3] =	wrdreg s2  }
0xb2: {  	[dreg:$0x4] =	wrdreg s4  }
0xb3: {  	[dreg:$0x5] =	wrdreg $0x9  }
0xb4: {  	_ =	task.clear_ibuf [dreg:s9], $0x6FFFF;
	_ =	strace $0x90000046  }
0xb5: {  	s29 =	simm.s32 $0x9;
	_ =	strace $0x80000048  }
0xb6: {  	_ =	swait.ge [sflag:s29], $0x1  }
0xb7: {  	[sflag:s29] =	ssyncadd.s32 $0xFFFFFFFF  }
0xb8: {  	_ =	strace $0x90000048  }
0xb9: {  	_ =	sfence  }
0xba: {  	s30 =	sld [smem:$0x0];
	_ =	sdelay $0x2  }
0xbb: {  	s31 =	sshll.u32 s1, $0xD;
	s1 =	sshrl.u32 s1, $0x2  }
0xbc: {  	s3 =	sand.u32 $0x4000, s31;
	s1 =	sadd.s32 s1, s30  }
0xbd: {  	s0 =	sor.u32 s3, s0;
	s1 =	sshll.u32 s1, $0x11  }
0xbe: {  	s0 =	sor.u32 s1, s0  }
0xbf: {  	s0 =	sadd.s32 $0x8F2B, s0  }
0xc0: {  	[sflag:s0] =	ssyncadd.remote.s32 $0x1  }
0xc1: {  	_ =	sfence.sel $0xFFFF  }
0xc2: {  	[dreg:$0x0] =	wrdreg $0xFFFFFFFF;
	(pc) =	sbr.abs _section_cstart, $3  }
0xc3: {  	[dreg:$0x1] =	wrdreg $0xFFFFFFFF  }
0xc4: {  	_ =	task.clear_ibuf [dreg:s9], $0x2FFFF;
	_ =	strace $0x9FFFFFFF  }
0xc5: {  	(tm) =	ssettm $0x7FFFFFFF  }
tec
execute0_lowered:
.L_overlay_start_1:
0x0: {  	(tag) =	ssettag $0x1  }
0x1: {  	s1 =	rddreg [dreg:$0x0]  }
0x2: {  	s2 =	rddreg [dreg:$0x1]  }
0x3: {  	s4 =	rddreg [dreg:$0x2]  }
0x4: {  	s0 =	rddreg [dreg:$0x3];
	s6 =	srdreg.scid  }
0x5: {  	s5 =	simm.s32 $0x0;
	s3 =	stileid.u32;
	s11 =	simm.s32 $0x80  }
0x6: {  	s12 =	simm.s32 $0x400;
	s13 =	simm.s32 $0x18700;
	s14 =	simm.s32 $0x2  }
0x7: {  	s15 =	simm.s32 $0x1;
	s16 =	simm.s32 $0x0;
	s6 =	sand.u32 $0x1, s6  }
0x8: {  	[smem:$0x7FF] =	sst s5;
	s8 =	sshll.u32 s3, $0x1;
	s7 =	ssub.s32 $0x2, s6  }
0x9: {  	_ =	strace $0x80000047;
	s6 =	sor.u32 s6, s8;
	s9 =	sshrl.u32 s7, $0x1  }
0xa: {  	s8 =	sadd.s32 $0x2000, s4;
	s6 =	smul.u32 $0xD, s6;
	s10 =	ssub.s32 s7, s9  }
0xb: {  	s7 =	sadd.s32 $0x1000, s4;
	s9 =	sadd.s32 $0x3000, s4;
	s10 =	smax.u32 s10, $0x1  }
.LBB2_1:
0xc: {  	s17 =	simm.s32 $0x0  }
.LBB2_2:
0xd: {  	s19 =	sadd.s32 s6, s17  }
0xe: {  	p0 =	seq.s32 s17, $0x0;
	s20 =	sand.u32 $0xF, s19  }
0xf: {  	p1 =	sne.s32 @!p0 s20, $0x0  }
0x10: {  	s18 =	sshrl.u32 s19, $0x4;
	p1 =	por p0, !p1  }
0x11: {  	s21 =	sshll.u32 @p1 s18, $0xB;
	s19 =	sand.u32 @p1 $0x70, s19  }
0x12: {  	s21 =	sand.u32 @p1 $0xFFFC000, s21;
	s19 =	sadd.s32 @p1 s2, s19  }
0x13: {  	s19 =	sadd.s32 @p1 s21, s19  }
0x14: {  	[tilespmem:s13], [sflag:$0x2] =	stream.strided.gather @p1 [hbm4b:s19+s11], $0x4000, s12, s11, $0x38;
	[tilespmem:$0x1E700] =	vst v63  }
0x15: {  	s30 =	smul.u32 $0x187000, s18;
	s19 =	sshrl.u32 s20, $0x3  }
0x16: {  	s22 =	smul.u32 $0xC3800, s19  }
0x17: {  	s20 =	sshll.u32 s20, $0x7  }
0x18: {  	s20 =	sand.u32 $0x380, s20;
	s21 =	sadd.s32 s30, s22  }
0x19: {  	_ =	swait.ge @p1 [sflag:s14], $0x4000;
	s21 =	sor.u32 s20, s21  }
0x1a: {  	[sflag:s14] =	ssyncset.done @p1 $0x0;
	s21 =	sshrl.u32 s21, $0x3  }
0x1b: {  	[sflag:s14] =	ssyncadd.s32 @p1 $0xFFFFC000;
	s21 =	sadd.s32 s1, s21  }
0x1c: {  	[tilespmem:s5], [sflag:$0x2] =	stream.strided.gather [hbm4b:s21+s11], $0x18700, s12, s11, $0x38;
	[tilespmem:$0x1E700] =	vst v63  }
0x1d: {  	_ =	swait.ge [sflag:s14], $0x18700  }
0x1e: {  	[sflag:s14] =	ssyncset.done $0x0  }
0x1f: {  	s21 =	simm.s32 @!p0 $0x1;
	[sflag:s14] =	ssyncadd.s32 $0xFFFE7900  }
0x20: {  	_ =	swait.ge @!p0 [sflag:s21], $0x1000  }
0x21: {  	[sflag:s21] =	ssyncset.done @!p0 $0x0  }
0x22: {  	[sflag:s21] =	ssyncadd.s32 @!p0 $0xFFFFF000  }
0x23: {  	_ =	swait.ge @!p0 [sflag:s21], $0x1000  }
0x24: {  	[sflag:s21] =	ssyncset.done @!p0 $0x0  }
0x25: {  	s31 =	simm.s32 $0x18740;
	[sflag:s21] =	ssyncadd.s32 @!p0 $0xFFFFF000  }
0x26: {  	v0 =	vld [tilespmem:s31+$0x30]  }
0x27: {  	v1 =	vld [tilespmem:s31+$0xFFFFFFD0]  }
0x28: {  	v2 =	vld [tilespmem:s31+$0xFFFFFFE0]  }
0x29: {  	v3 =	vld [tilespmem:s31+$0xFFFFFFF0]  }
0x2a: {  	v6 =	vld [tilespmem:s31+$0x0]  }
0x2b: {  	v7 =	vld [tilespmem:s31+$0x10]  }
0x2c: {  	v8 =	vld [tilespmem:s31+$0x20]  }
0x2d: {  	v9 =	vld [tilespmem:s31+$0xFFFFFFC0]  }
0x2e: {  	v10 =	vld.idx.msk [tilespmem:v0+s5+$0x0], $0xffff  }
0x2f: {  	v11 =	vld.idx.msk [tilespmem:v1+s5+$0x0], $0xffff  }
0x30: {  	v5 =	vld.idx.msk [tilespmem:v2+s5+$0x0], $0xffff  }
0x31: {  	v4 =	vld.idx.msk [tilespmem:v3+s5+$0x0], $0xffff  }
0x32: {  	v3 =	vld.idx.msk [tilespmem:v6+s5+$0x0], $0xffff  }
0x33: {  	s21 =	simm.s32 $0x1C740;
	v1 =	vld.idx.msk [tilespmem:v7+s5+$0x0], $0xffff  }
0x34: {  	v0 =	vld.idx.msk [tilespmem:v8+s5+$0x0], $0xffff;
	[tilespmem:s21+$0x30] =	vst v10  }
0x35: {  	s23 =	simm.s32 $0x187C0;
	s22 =	simm.s32 $0x0;
	v2 =	vld.idx.msk [tilespmem:v9+s5+$0x0], $0xffff;
	[tilespmem:s21+$0xFFFFFFD0] =	vst v11  }
.LBB2_3:
0x36: {  	v6 =	vld [tilespmem:s23+$0x30];
	s22 =	sadd.s32 $0x8, s22;
	[tilespmem:s21+$0xFFFFFFE0] =	vst v5  }
0x37: {  	v5 =	vld [tilespmem:s23+$0xFFFFFFD0];
	p0 =	slt.u32 s22, $0xF8;
	[tilespmem:s21+$0xFFFFFFF0] =	vst v4  }
0x38: {  	v4 =	vld [tilespmem:s23+$0xFFFFFFE0];
	[tilespmem:s21+$0x0] =	vst v3  }
0x39: {  	v3 =	vld [tilespmem:s23+$0xFFFFFFF0];
	[tilespmem:s21+$0x10] =	vst v1  }
0x3a: {  	v1 =	vld [tilespmem:s23+$0x0];
	[tilespmem:s21+$0x20] =	vst v0  }
0x3b: {  	v0 =	vld [tilespmem:s23+$0x10];
	[tilespmem:s21+$0xFFFFFFC0] =	vst v2  }
0x3c: {  	v2 =	vld [tilespmem:s23+$0x20]  }
0x3d: {  	v7 =	vld [tilespmem:s23+$0xFFFFFFC0]  }
0x3e: {  	v6 =	vld.idx.msk [tilespmem:v6+s5+$0x0], $0xffff  }
0x3f: {  	v8 =	vld.idx.msk [tilespmem:v5+s5+$0x0], $0xffff  }
0x40: {  	v5 =	vld.idx.msk [tilespmem:v4+s5+$0x0], $0xffff  }
.Ltmp0:
0x41: {  	v4 =	vld.idx.msk [tilespmem:v3+s5+$0x0], $0xffff;
	(pc) =	sbr.rel @p0 .LBB2_3-.Ltmp0, $4  }
0x42: {  	v3 =	vld.idx.msk [tilespmem:v1+s5+$0x0], $0xffff  }
0x43: {  	s21 =	sadd.s32 $0x100, s21;
	v1 =	vld.idx.msk [tilespmem:v0+s5+$0x0], $0xffff  }
0x44: {  	v0 =	vld.idx.msk [tilespmem:v2+s5+$0x0], $0xffff;
	[tilespmem:s21+$0x30] =	vst v6  }
0x45: {  	s23 =	sadd.s32 $0x80, s23;
	v2 =	vld.idx.msk [tilespmem:v7+s5+$0x0], $0xffff;
	[tilespmem:s21+$0xFFFFFFD0] =	vst v8  }
0x46: {  	[tilespmem:s21+$0xFFFFFFE0] =	vst v5  }
0x47: {  	[tilespmem:s21+$0xFFFFFFF0] =	vst v4;
	s18 =	sshll.u32 s18, $0x12;
	s19 =	sshll.u32 s19, $0x11  }
0x48: {  	[tilespmem:s21+$0x0] =	vst v3;
	s18 =	sor.u32 s18, s19  }
0x49: {  	[tilespmem:s21+$0x10] =	vst v1;
	s18 =	sor.u32 s20, s18  }
0x4a: {  	[tilespmem:s21+$0x20] =	vst v0;
	s18 =	sshrl.u32 s18, $0x3  }
0x4b: {  	s20 =	simm.s32 $0x0;
	[tilespmem:s21+$0xFFFFFFC0] =	vst v2;
	s19 =	sadd.s32 s4, s18;
	s21 =	simm.s32 $0x1C700  }
.LBB2_5:
0x4c: {  	p0 =	sne.s32 s20, $0xF80  }
.Ltmp1:
0x4d: {  	_ = 	snop;
	(pc) =	sbr.rel @p0 .LBB2_5-.Ltmp1, $4  }
0x4e: {  	_ = 	snop  }
0x4f: {  	s22 =	sadd.s32 s20, s19  }
0x50: {  	[hbm4b:s22+s5] =	stream.linear.scatter [tilespmem:s21], [sflag:$0x1], $0x80, $0x38;
	[tilespmem:$0x1E700] =	vst v63  }
0x51: {  	s20 =	sadd.s32 $0x80, s20;
	s21 =	sadd.s32 $0x100, s21  }
0x52: {  	s19 =	simm.s32 $0x19770  }
0x53: {  	v0 =	vld [tilespmem:s19+$0x0]  }
0x54: {  	v1 =	vld [tilespmem:s19+$0xFFFFFFA0]  }
0x55: {  	v2 =	vld [tilespmem:s19+$0xFFFFFFB0]  }
0x56: {  	v3 =	vld [tilespmem:s19+$0xFFFFFFC0]  }
0x57: {  	v6 =	vld [tilespmem:s19+$0xFFFFFFD0]  }
0x58: {  	v7 =	vld [tilespmem:s19+$0xFFFFFFE0]  }
0x59: {  	v8 =	vld [tilespmem:s19+$0xFFFFFFF0]  }
0x5a: {  	v9 =	vld [tilespmem:s19+$0xFFFFFF90]  }
0x5b: {  	v10 =	vld.idx.msk [tilespmem:v0+s5+$0x0], $0xffff  }
0x5c: {  	v11 =	vld.idx.msk [tilespmem:v1+s5+$0x0], $0xffff  }
0x5d: {  	v5 =	vld.idx.msk [tilespmem:v2+s5+$0x0], $0xffff  }
0x5e: {  	v4 =	vld.idx.msk [tilespmem:v3+s5+$0x0], $0xffff  }
0x5f: {  	v0 =	vld.idx.msk [tilespmem:v6+s5+$0x0], $0xffff  }
0x60: {  	s19 =	simm.s32 $0x1C7F0;
	v1 =	vld.idx.msk [tilespmem:v7+s5+$0x0], $0xffff  }
0x61: {  	v2 =	vld.idx.msk [tilespmem:v8+s5+$0x0], $0xffff;
	[tilespmem:s19+$0x0] =	vst v10  }
0x62: {  	s20 =	simm.s32 $0x0;
	s21 =	simm.s32 $0x197F0;
	v3 =	vld.idx.msk [tilespmem:v9+s5+$0x0], $0xffff;
	[tilespmem:s19+$0xFFFFFFA0] =	vst v11  }
.LBB2_7:
0x63: {  	v6 =	vld [tilespmem:s21+$0x0];
	s20 =	sadd.s32 $0x8, s20;
	[tilespmem:s19+$0xFFFFFFB0] =	vst v5  }
0x64: {  	v5 =	vld [tilespmem:s21+$0xFFFFFFA0];
	p0 =	slt.u32 s20, $0xF8;
	[tilespmem:s19+$0xFFFFFFC0] =	vst v4  }
0x65: {  	v4 =	vld [tilespmem:s21+$0xFFFFFFB0];
	[tilespmem:s19+$0xFFFFFFD0] =	vst v0  }
0x66: {  	v0 =	vld [tilespmem:s21+$0xFFFFFFC0];
	[tilespmem:s19+$0xFFFFFFE0] =	vst v1  }
0x67: {  	v1 =	vld [tilespmem:s21+$0xFFFFFFD0];
	[tilespmem:s19+$0xFFFFFFF0] =	vst v2  }
0x68: {  	v2 =	vld [tilespmem:s21+$0xFFFFFFE0];
	[tilespmem:s19+$0xFFFFFF90] =	vst v3  }
0x69: {  	v3 =	vld [tilespmem:s21+$0xFFFFFFF0]  }
0x6a: {  	v7 =	vld [tilespmem:s21+$0xFFFFFF90]  }
0x6b: {  	v6 =	vld.idx.msk [tilespmem:v6+s5+$0x0], $0xffff  }
0x6c: {  	v8 =	vld.idx.msk [tilespmem:v5+s5+$0x0], $0xffff  }
0x6d: {  	v5 =	vld.idx.msk [tilespmem:v4+s5+$0x0], $0xffff  }
.Ltmp2:
0x6e: {  	v4 =	vld.idx.msk [tilespmem:v0+s5+$0x0], $0xffff;
	(pc) =	sbr.rel @p0 .LBB2_7-.Ltmp2, $4  }
0x6f: {  	v0 =	vld.idx.msk [tilespmem:v1+s5+$0x0], $0xffff  }
0x70: {  	s19 =	sadd.s32 $0x100, s19;
	v1 =	vld.idx.msk [tilespmem:v2+s5+$0x0], $0xffff  }
0x71: {  	v2 =	vld.idx.msk [tilespmem:v3+s5+$0x0], $0xffff;
	[tilespmem:s19+$0x0] =	vst v6  }
0x72: {  	s21 =	sadd.s32 $0x80, s21;
	v3 =	vld.idx.msk [tilespmem:v7+s5+$0x0], $0xffff;
	[tilespmem:s19+$0xFFFFFFA0] =	vst v8  }
0x73: {  	[tilespmem:s19+$0xFFFFFFB0] =	vst v5  }
0x74: {  	[tilespmem:s19+$0xFFFFFFC0] =	vst v4  }
0x75: {  	[tilespmem:s19+$0xFFFFFFD0] =	vst v0  }
0x76: {  	[tilespmem:s19+$0xFFFFFFE0] =	vst v1  }
0x77: {  	s20 =	sadd.s32 s18, s7;
	s21 =	simm.s32 $0x1C780;
	[tilespmem:s19+$0xFFFFFFF0] =	vst v2  }
0x78: {  	s22 =	simm.s32 $0x1C880;
	s23 =	sadd.s32 $0x0, s20;
	[tilespmem:s19+$0xFFFFFF90] =	vst v3;
	s19 =	simm.s32 $0x80  }
.LBB2_9:
0x79: {  	[hbm4b:s23+s5] =	stream.linear.scatter [tilespmem:s21], [sflag:$0x1], $0x80, $0x38;
	[tilespmem:$0x1E700] =	vst v63  }
0x7a: {  	s23 =	smov.u32 s19;
	s21 =	smov.u32 s22;
	p0 =	sne.s32 s19, $0xF80  }
.Ltmp3:
0x7b: {  	s19 =	sadd.s32 $0x80, s19;
	(pc) =	sbr.rel @p0 .LBB2_9-.Ltmp3, $2  }
0x7c: {  	_ =	sdelay $0x2  }
0x7d: {  	s22 =	sadd.s32 $0x100, s22;
	s23 =	sadd.s32 s23, s20  }
0x7e: {  	[hbm4b:s23+s5] =	stream.linear.scatter [tilespmem:s21], [sflag:$0x1], $0x80, $0x38;
	[tilespmem:$0x1E700] =	vst v63  }
0x7f: {  	_ =	swait.ge [sflag:s15], $0x1000  }
0x80: {  	[sflag:s15] =	ssyncset.done $0x0  }
0x81: {  	s19 =	simm.s32 $0x1A770;
	[sflag:s15] =	ssyncadd.s32 $0xFFFFF000  }
0x82: {  	v0 =	vld [tilespmem:s19+$0x0]  }
0x83: {  	v1 =	vld [tilespmem:s19+$0xFFFFFFA0]  }
0x84: {  	v2 =	vld [tilespmem:s19+$0xFFFFFFB0]  }
0x85: {  	v3 =	vld [tilespmem:s19+$0xFFFFFFC0]  }
0x86: {  	v6 =	vld [tilespmem:s19+$0xFFFFFFD0]  }
0x87: {  	v7 =	vld [tilespmem:s19+$0xFFFFFFE0]  }
0x88: {  	v8 =	vld [tilespmem:s19+$0xFFFFFFF0]  }
0x89: {  	v9 =	vld [tilespmem:s19+$0xFFFFFF90]  }
0x8a: {  	v10 =	vld.idx.msk [tilespmem:v0+s5+$0x0], $0xffff  }
0x8b: {  	v11 =	vld.idx.msk [tilespmem:v1+s5+$0x0], $0xffff  }
0x8c: {  	v5 =	vld.idx.msk [tilespmem:v2+s5+$0x0], $0xffff  }
0x8d: {  	v4 =	vld.idx.msk [tilespmem:v3+s5+$0x0], $0xffff  }
0x8e: {  	v0 =	vld.idx.msk [tilespmem:v6+s5+$0x0], $0xffff  }
0x8f: {  	s19 =	simm.s32 $0x1C740;
	v1 =	vld.idx.msk [tilespmem:v7+s5+$0x0], $0xffff  }
0x90: {  	v2 =	vld.idx.msk [tilespmem:v8+s5+$0x0], $0xffff;
	[tilespmem:s19+$0x30] =	vst v10  }
0x91: {  	s20 =	simm.s32 $0x0;
	s21 =	simm.s32 $0x1A7F0;
	v3 =	vld.idx.msk [tilespmem:v9+s5+$0x0], $0xffff;
	[tilespmem:s19+$0xFFFFFFD0] =	vst v11  }
.LBB2_11:
0x92: {  	v6 =	vld [tilespmem:s21+$0x0];
	s20 =	sadd.s32 $0x8, s20;
	[tilespmem:s19+$0xFFFFFFE0] =	vst v5  }
0x93: {  	v5 =	vld [tilespmem:s21+$0xFFFFFFA0];
	p0 =	slt.u32 s20, $0xF8;
	[tilespmem:s19+$0xFFFFFFF0] =	vst v4  }
0x94: {  	v4 =	vld [tilespmem:s21+$0xFFFFFFB0];
	[tilespmem:s19+$0x0] =	vst v0  }
0x95: {  	v0 =	vld [tilespmem:s21+$0xFFFFFFC0];
	[tilespmem:s19+$0x10] =	vst v1  }
0x96: {  	v1 =	vld [tilespmem:s21+$0xFFFFFFD0];
	[tilespmem:s19+$0x20] =	vst v2  }
0x97: {  	v2 =	vld [tilespmem:s21+$0xFFFFFFE0];
	[tilespmem:s19+$0xFFFFFFC0] =	vst v3  }
0x98: {  	v3 =	vld [tilespmem:s21+$0xFFFFFFF0]  }
0x99: {  	v7 =	vld [tilespmem:s21+$0xFFFFFF90]  }
0x9a: {  	v6 =	vld.idx.msk [tilespmem:v6+s5+$0x0], $0xffff  }
0x9b: {  	v8 =	vld.idx.msk [tilespmem:v5+s5+$0x0], $0xffff  }
0x9c: {  	v5 =	vld.idx.msk [tilespmem:v4+s5+$0x0], $0xffff  }
.Ltmp4:
0x9d: {  	v4 =	vld.idx.msk [tilespmem:v0+s5+$0x0], $0xffff;
	(pc) =	sbr.rel @p0 .LBB2_11-.Ltmp4, $4  }
0x9e: {  	v0 =	vld.idx.msk [tilespmem:v1+s5+$0x0], $0xffff  }
0x9f: {  	s19 =	sadd.s32 $0x100, s19;
	v1 =	vld.idx.msk [tilespmem:v2+s5+$0x0], $0xffff  }
0xa0: {  	v2 =	vld.idx.msk [tilespmem:v3+s5+$0x0], $0xffff;
	[tilespmem:s19+$0x30] =	vst v6  }
0xa1: {  	s21 =	sadd.s32 $0x80, s21;
	v3 =	vld.idx.msk [tilespmem:v7+s5+$0x0], $0xffff;
	[tilespmem:s19+$0xFFFFFFD0] =	vst v8  }
0xa2: {  	[tilespmem:s19+$0xFFFFFFE0] =	vst v5  }
0xa3: {  	[tilespmem:s19+$0xFFFFFFF0] =	vst v4  }
0xa4: {  	[tilespmem:s19+$0x0] =	vst v0  }
0xa5: {  	[tilespmem:s19+$0x10] =	vst v1  }
0xa6: {  	s20 =	sadd.s32 s18, s8;
	s21 =	simm.s32 $0x1C700;
	[tilespmem:s19+$0x20] =	vst v2  }
0xa7: {  	s22 =	simm.s32 $0x1C800;
	s23 =	sadd.s32 $0x0, s20;
	[tilespmem:s19+$0xFFFFFFC0] =	vst v3;
	s19 =	simm.s32 $0x80  }
.LBB2_13:
0xa8: {  	[hbm4b:s23+s5] =	stream.linear.scatter [tilespmem:s21], [sflag:$0x1], $0x80, $0x38;
	[tilespmem:$0x1E700] =	vst v63  }
0xa9: {  	s23 =	smov.u32 s19;
	s21 =	smov.u32 s22;
	p0 =	sne.s32 s19, $0xF80  }
.Ltmp5:
0xaa: {  	s19 =	sadd.s32 $0x80, s19;
	(pc) =	sbr.rel @p0 .LBB2_13-.Ltmp5, $2  }
0xab: {  	_ =	sdelay $0x2  }
0xac: {  	s22 =	sadd.s32 $0x100, s22;
	s23 =	sadd.s32 s23, s20  }
0xad: {  	[hbm4b:s23+s5] =	stream.linear.scatter [tilespmem:s21], [sflag:$0x1], $0x80, $0x38;
	[tilespmem:$0x1E700] =	vst v63  }
0xae: {  	_ =	swait.ge [sflag:s15], $0x1000  }
0xaf: {  	[sflag:s15] =	ssyncset.done $0x0  }
0xb0: {  	s19 =	simm.s32 $0x1B770;
	[sflag:s15] =	ssyncadd.s32 $0xFFFFF000  }
0xb1: {  	v0 =	vld [tilespmem:s19+$0x0]  }
0xb2: {  	v1 =	vld [tilespmem:s19+$0xFFFFFFA0]  }
0xb3: {  	v2 =	vld [tilespmem:s19+$0xFFFFFFB0]  }
0xb4: {  	v3 =	vld [tilespmem:s19+$0xFFFFFFC0]  }
0xb5: {  	v6 =	vld [tilespmem:s19+$0xFFFFFFD0]  }
0xb6: {  	v7 =	vld [tilespmem:s19+$0xFFFFFFE0]  }
0xb7: {  	v8 =	vld [tilespmem:s19+$0xFFFFFFF0]  }
0xb8: {  	v9 =	vld [tilespmem:s19+$0xFFFFFF90]  }
0xb9: {  	v10 =	vld.idx.msk [tilespmem:v0+s5+$0x0], $0xffff  }
0xba: {  	v11 =	vld.idx.msk [tilespmem:v1+s5+$0x0], $0xffff  }
0xbb: {  	v5 =	vld.idx.msk [tilespmem:v2+s5+$0x0], $0xffff  }
0xbc: {  	v4 =	vld.idx.msk [tilespmem:v3+s5+$0x0], $0xffff  }
0xbd: {  	v0 =	vld.idx.msk [tilespmem:v6+s5+$0x0], $0xffff  }
0xbe: {  	s19 =	simm.s32 $0x1C7F0;
	v1 =	vld.idx.msk [tilespmem:v7+s5+$0x0], $0xffff  }
0xbf: {  	v2 =	vld.idx.msk [tilespmem:v8+s5+$0x0], $0xffff;
	[tilespmem:s19+$0x0] =	vst v10  }
0xc0: {  	s20 =	simm.s32 $0x0;
	s21 =	simm.s32 $0x1B7F0;
	v3 =	vld.idx.msk [tilespmem:v9+s5+$0x0], $0xffff;
	[tilespmem:s19+$0xFFFFFFA0] =	vst v11  }
.LBB2_15:
0xc1: {  	v6 =	vld [tilespmem:s21+$0x0];
	s20 =	sadd.s32 $0x8, s20;
	[tilespmem:s19+$0xFFFFFFB0] =	vst v5  }
0xc2: {  	v5 =	vld [tilespmem:s21+$0xFFFFFFA0];
	p0 =	slt.u32 s20, $0xF8;
	[tilespmem:s19+$0xFFFFFFC0] =	vst v4  }
0xc3: {  	v4 =	vld [tilespmem:s21+$0xFFFFFFB0];
	[tilespmem:s19+$0xFFFFFFD0] =	vst v0  }
0xc4: {  	v0 =	vld [tilespmem:s21+$0xFFFFFFC0];
	[tilespmem:s19+$0xFFFFFFE0] =	vst v1  }
0xc5: {  	v1 =	vld [tilespmem:s21+$0xFFFFFFD0];
	[tilespmem:s19+$0xFFFFFFF0] =	vst v2  }
0xc6: {  	v2 =	vld [tilespmem:s21+$0xFFFFFFE0];
	[tilespmem:s19+$0xFFFFFF90] =	vst v3  }
0xc7: {  	v3 =	vld [tilespmem:s21+$0xFFFFFFF0]  }
0xc8: {  	v7 =	vld [tilespmem:s21+$0xFFFFFF90]  }
0xc9: {  	v6 =	vld.idx.msk [tilespmem:v6+s5+$0x0], $0xffff  }
0xca: {  	v8 =	vld.idx.msk [tilespmem:v5+s5+$0x0], $0xffff  }
0xcb: {  	v5 =	vld.idx.msk [tilespmem:v4+s5+$0x0], $0xffff  }
.Ltmp6:
0xcc: {  	v4 =	vld.idx.msk [tilespmem:v0+s5+$0x0], $0xffff;
	(pc) =	sbr.rel @p0 .LBB2_15-.Ltmp6, $4  }
0xcd: {  	v0 =	vld.idx.msk [tilespmem:v1+s5+$0x0], $0xffff  }
0xce: {  	s19 =	sadd.s32 $0x100, s19;
	v1 =	vld.idx.msk [tilespmem:v2+s5+$0x0], $0xffff  }
0xcf: {  	v2 =	vld.idx.msk [tilespmem:v3+s5+$0x0], $0xffff;
	[tilespmem:s19+$0x0] =	vst v6  }
0xd0: {  	s21 =	sadd.s32 $0x80, s21;
	v3 =	vld.idx.msk [tilespmem:v7+s5+$0x0], $0xffff;
	[tilespmem:s19+$0xFFFFFFA0] =	vst v8  }
0xd1: {  	[tilespmem:s19+$0xFFFFFFB0] =	vst v5  }
0xd2: {  	[tilespmem:s19+$0xFFFFFFC0] =	vst v4  }
0xd3: {  	[tilespmem:s19+$0xFFFFFFD0] =	vst v0  }
0xd4: {  	[tilespmem:s19+$0xFFFFFFE0] =	vst v1  }
0xd5: {  	s18 =	sadd.s32 s18, s9;
	s20 =	simm.s32 $0x1C780;
	[tilespmem:s19+$0xFFFFFFF0] =	vst v2  }
0xd6: {  	s21 =	simm.s32 $0x1C880;
	s22 =	sadd.s32 $0x0, s18;
	[tilespmem:s19+$0xFFFFFF90] =	vst v3;
	s19 =	simm.s32 $0x80  }
.LBB2_17:
0xd7: {  	[hbm4b:s22+s5] =	stream.linear.scatter [tilespmem:s20], [sflag:$0x1], $0x80, $0x38;
	[tilespmem:$0x1E700] =	vst v63  }
0xd8: {  	s22 =	smov.u32 s19;
	s20 =	smov.u32 s21;
	p0 =	sne.s32 s19, $0xF80  }
.Ltmp7:
0xd9: {  	s19 =	sadd.s32 $0x80, s19;
	(pc) =	sbr.rel @p0 .LBB2_17-.Ltmp7, $2  }
0xda: {  	_ =	sdelay $0x2  }
0xdb: {  	s21 =	sadd.s32 $0x100, s21;
	s22 =	sadd.s32 s22, s18  }
0xdc: {  	s17 =	sadd.s32 $0x1, s17  }
0xdd: {  	p0 =	sne.s32 s17, $0xD  }
.Ltmp8:
0xde: {  	_ = 	snop;
	(pc) =	sbr.rel @p0 .LBB2_2-.Ltmp8, $2  }
0xdf: {  	_ =	sdelay $0x2  }
0xe0: {  	[hbm4b:s22+s5] =	stream.linear.scatter [tilespmem:s20], [sflag:$0x1], $0x80, $0x38;
	[tilespmem:$0x1E700] =	vst v63  }
0xe1: {  	s16 =	sadd.s32 $0x1, s16  }
0xe2: {  	_ =	swait.ge [sflag:s15], $0x1000;
	p0 =	sne.s32 s16, s10  }
.Ltmp9:
0xe3: {  	[sflag:s15] =	ssyncset.done $0x0;
	(pc) =	sbr.rel @p0 .LBB2_1-.Ltmp9, $4  }
0xe4: {  	[sflag:s15] =	ssyncadd.s32 $0xFFFFF000  }
0xe5: {  	_ =	swait.ge [sflag:s15], $0x1000  }
0xe6: {  	[sflag:s15] =	ssyncset.done $0x0  }
0xe7: {  	[sflag:s15] =	ssyncadd.s32 $0xFFFFF000  }
0xe8: {  	_ =	sfence.sel $0x180000  }
0xe9: {  	[bflag:$0x0] =	sbarrier.arrive $0xFFFF  }
0xea: {  	p0 =	sne.s32 s3, $0x0;
	_ =	strace $0x90000047  }
0xeb: {  	s0 =	sadd.s32 @!p0 $0x100000, s0;
	[bflag:$0x2] =	sbarrier.arrive $0xFFFF  }
0xec: {  	[sflag:s0] =	ssyncadd.tile.s32 @!p0 $0x1;
	_ =	shalt  }
.Lfunc_end2:
_tile_overlayer_lowered:
.L_overlay_start_2:
0xed: {  	(tag) =	ssettag $0x2  }
0xee: {  	s0 =	rddreg [dreg:$0x0];
	s2 =	stileid.u32  }
0xef: {  	s1 =	rddreg [dreg:$0x1];
	p0 =	sne.s32 s2, $0x0  }
0xf0: {  	s3 =	rddreg [dreg:$0x2];
	[bflag:$0x3] =	sbarrier.arrive $0xFFFF;
	s2 =	simm.s32 @!p0 $0x1C02  }
0xf1: {  	[timem:s3], [sflag:s2] =	dma.local @!p0 [hbm:s0], s1  }
0xf2: {  	s0 =	simm.s32 @!p0 $0x2  }
0xf3: {  	_ =	swait.ge @!p0 [sflag:s0], s1  }
0xf4: {  	s1 =	ssub.s32 @!p0 $0x0, s1;
	[sflag:s0] =	ssyncset.done @!p0 $0x0  }
0xf5: {  	[sflag:s0] =	ssyncadd.s32 @!p0 s1  }
0xf6: {  	[bflag:$0x3] =	sbarrier.arrive $0xFFFF  }
0xf7: {  	_ =	shalt  }

</sc_bundles>
